<compile_context>
chip_gen: v7x
topology: tpu7x:2x2x1
jax: 0.10.2.dev20260603
libtpu: 0.0.44.dev20260713+nightly
codegen_flags: <defaults>
</compile_context>

<pallas_src>
import jax
import jax.numpy as jnp
from jax import lax
from jax.experimental import pallas as pl
from jax.experimental.pallas import tpu as pltpu
from jax.experimental.pallas import tpu_sc as plsc

N = 10000
D = 128
DH = D // 2
E = 320000
NC = 2
NS = 16
K = 100
CT = 200
NCH_PH = 100
NPH = CT // NCH_PH
IOSUB = 10
IOROWS = N // IOSUB


def _sc_body(feat_hbm, ei_hbm, out_hbm,
             feats, acc, idx_s, idx_d, rows0, rows1, sem0, sem1):
    c = lax.axis_index("c")
    s = lax.axis_index("s")

    io_base = pl.multiple_of(s * IOROWS, 8)
    col = pl.multiple_of(c * DH, DH)

    @pl.when(s < IOSUB)
    def _init():
        pltpu.sync_copy(feat_hbm.at[pl.ds(io_base, IOROWS), pl.ds(col, DH)],
                        feats.at[pl.ds(io_base, IOROWS)])
        pltpu.sync_copy(feat_hbm.at[pl.ds(io_base, IOROWS), pl.ds(col, DH)],
                        acc.at[pl.ds(io_base, IOROWS)])

    plsc.subcore_barrier()

    for p in range(NPH):
        slab = pl.multiple_of(s * CT + p * NCH_PH, 4)
        pltpu.sync_copy(ei_hbm.at[0, pl.ds(slab, NCH_PH)], idx_s)
        pltpu.sync_copy(ei_hbm.at[1, pl.ds(slab, NCH_PH)], idx_d)

        pltpu.async_copy(feats.at[idx_s.at[0]], rows0, sem0)

        def body(i, carry):
            j0 = 2 * i
            j1 = j0 + 1
            pltpu.async_copy(feats.at[idx_s.at[j1]], rows1, sem1)
            pltpu.make_async_copy(feats.at[idx_s.at[j0]], rows0, sem0).wait()
            pltpu.sync_copy(rows0, acc.at[idx_d.at[j0]], add=True)

            @pl.when(j1 + 1 < NCH_PH)
            def _():
                pltpu.async_copy(feats.at[idx_s.at[j1 + 1]], rows0, sem0)

            pltpu.make_async_copy(feats.at[idx_s.at[j1]], rows1, sem1).wait()
            pltpu.sync_copy(rows1, acc.at[idx_d.at[j1]], add=True)
            return carry

        lax.fori_loop(0, NCH_PH // 2, body, 0)

    plsc.subcore_barrier()

    @pl.when(s < IOSUB)
    def _writeout():
        pltpu.sync_copy(acc.at[pl.ds(io_base, IOROWS)],
                        out_hbm.at[pl.ds(io_base, IOROWS), pl.ds(col, DH)])


_sc_gin = pl.kernel(
    _sc_body,
    out_type=jax.ShapeDtypeStruct((N, D), jnp.float32),
    mesh=plsc.VectorSubcoreMesh(
        core_axis_name="c", subcore_axis_name="s", num_cores=NC, num_subcores=NS
    ),
    compiler_params=pltpu.CompilerParams(use_tc_tiling_on_sc=False),
    scratch_types=[
        pltpu.VMEM_SHARED((N, DH), jnp.float32),
        pltpu.VMEM_SHARED((N, DH), jnp.float32),
        pltpu.VMEM((NCH_PH, K), jnp.int32),
        pltpu.VMEM((NCH_PH, K), jnp.int32),
        pltpu.VMEM((K, DH), jnp.float32),
        pltpu.VMEM((K, DH), jnp.float32),
        pltpu.SemaphoreType.DMA,
        pltpu.SemaphoreType.DMA,
    ],
)


@jax.jit
def kernel(feat, edge_index):
    ei = edge_index.astype(jnp.int32).reshape(2, NS * CT, K)
    return _sc_gin(feat, ei)

# --- scband reference (transcript-rebuilt; emitter-appended) ---
"""Pipeline reference for scband-non-para-ginconv-34668976013867 (READ-ONLY COPY).

The authoritative reference and input builder live on the scoring server;
editing this copy changes nothing except your own understanding.
"""

import jax, jax.numpy as jnp
import numpy as np

EPS = 0.0

def setup_inputs(seed: int = 0) -> dict:
    key = jax.random.key(seed)
    k1, k2 = jax.random.split(key)
    feat = jax.random.normal(k1, (10000, 128), dtype=jnp.float32)
    edge_index = jax.random.randint(k2, (2, 320000), 0, 10000, dtype=jnp.int64)
    return {"feat": feat, "edge_index": edge_index}

def reference(feat, edge_index):
    # NonParaGINConv with aggregator_type='sum':
    # message: copy source node features along edges
    # reduce: sum messages per destination node
    # rst = (1 + eps) * feat_dst + neigh
    src = edge_index[0]
    dst = edge_index[1]
    msg = jnp.take(feat, src, axis=0)  # gather source features -> [E, d]
    neigh = jax.ops.segment_sum(msg, dst, num_segments=feat.shape[0])  # scatter-add -> [N, d]
    rst = (1.0 + EPS) * feat + neigh
    return rst

if __name__ == "__main__":
    import jax
    _d = setup_inputs()
    print(jax.jit(kernel)(*tuple(_d.values())))

</pallas_src>

<mosaic_0001>
#map = affine_map<(d0, d1) -> (0, 0)>
#map1 = affine_map<(d0, d1) -> (0, 0, 0)>
module attributes {stable_mosaic.version = 14 : i64} {
  func.func @_sc_body(%arg0: i32, %arg1: i32, %arg2: memref<10000x128xf32, #tpu.memory_space<hbm>>, %arg3: memref<2x3200x100xi32, #tpu.memory_space<hbm>>, %arg4: memref<10000x128xf32, #tpu.memory_space<hbm>>, %arg5: memref<10000x64xf32, #tpu.memory_space<vmem_shared>>, %arg6: memref<10000x64xf32, #tpu.memory_space<vmem_shared>>, %arg7: memref<100x100xi32, #tpu.memory_space<vmem>>, %arg8: memref<100x100xi32, #tpu.memory_space<vmem>>, %arg9: memref<100x64xf32, #tpu.memory_space<vmem>>, %arg10: memref<100x64xf32, #tpu.memory_space<vmem>>, %arg11: memref<!tpu.dma_semaphore, #tpu.memory_space<semaphore_mem>>, %arg12: memref<!tpu.dma_semaphore, #tpu.memory_space<semaphore_mem>>) attributes {dimension_semantics = [#tpu.dimension_semantics<core_parallel>, #tpu.dimension_semantics<subcore_parallel>], iteration_bounds = array<i64: 2, 16>, scalar_prefetch = 0 : i64, scratch_operands = 8 : i64, tpu.core_type = #tpu.core_type<sc_vector_subcore>, window_params = [{transform_indices = #map}, {transform_indices = #map1}, {transform_indices = #map}]} {
    %mul3A = arith.constant 1000 : i32
    %mul3A_0 = arith.muli %arg1, %mul3A : i32
    %multiple_of3A = tpu.assume_multiple %mul3A_0, 8 : i32
    %mul3A_1 = arith.constant 64 : i32
    %mul3A_2 = arith.muli %arg0, %mul3A_1 : i32
    %multiple_of3A_3 = tpu.assume_multiple %mul3A_2, 64 : i32
    %lt3A = arith.constant 10 : i32
    %lt3A_4 = arith.cmpi slt, %arg1, %lt3A : i32
    %convert_element_type3A = arith.extui %lt3A_4 : i1 to i32
    %cond3A = arith.constant 0 : i32
    %cond3A_5 = arith.cmpi ne, %convert_element_type3A, %cond3A : i32
    scf.if %cond3A_5 {
      "tpu.region"() ({
        %run_scoped3A_48 = tpu.sem_alloc : memref<!tpu.dma_semaphore, #tpu.memory_space<semaphore_mem>>
        %dma_start3A_49 = arith.constant 0 : i32
        %dma_start3A_50 = tpu.memref_slice %arg5[%multiple_of3A, %dma_start3A_49] : memref<10000x64xf32, #tpu.memory_space<vmem_shared>> -> memref<1000x64xf32, #tpu.memory_space<vmem_shared>>
        %dma_start3A_51 = tpu.memref_slice %arg2[%multiple_of3A, %multiple_of3A_3] : memref<10000x128xf32, #tpu.memory_space<hbm>> -> memref<1000x64xf32, #tpu.memory_space<hbm>>
        tpu.enqueue_dma source(%dma_start3A_51 : memref<1000x64xf32, #tpu.memory_space<hbm>>) target(%dma_start3A_50 : memref<1000x64xf32, #tpu.memory_space<vmem_shared>>) target_semaphore(%run_scoped3A_48 : memref<!tpu.dma_semaphore, #tpu.memory_space<semaphore_mem>>)
        %dma_wait3A = arith.constant 0 : i32
        %dma_wait3A_52 = tpu.memref_slice %arg5[%multiple_of3A, %dma_wait3A] : memref<10000x64xf32, #tpu.memory_space<vmem_shared>> -> memref<1000x64xf32, #tpu.memory_space<vmem_shared>>
        %dma_wait3A_53 = tpu.memref_slice %arg2[%multiple_of3A, %multiple_of3A_3] : memref<10000x128xf32, #tpu.memory_space<hbm>> -> memref<1000x64xf32, #tpu.memory_space<hbm>>
        tpu.wait_dma2 semaphore(%run_scoped3A_48 : memref<!tpu.dma_semaphore, #tpu.memory_space<semaphore_mem>>) src(%dma_wait3A_53 : memref<1000x64xf32, #tpu.memory_space<hbm>>) dst(%dma_wait3A_52 : memref<1000x64xf32, #tpu.memory_space<vmem_shared>>)
        tpu.yield
      }) : () -> ()
      "tpu.region"() ({
        %run_scoped3A_48 = tpu.sem_alloc : memref<!tpu.dma_semaphore, #tpu.memory_space<semaphore_mem>>
        %dma_start3A_49 = arith.constant 0 : i32
        %dma_start3A_50 = tpu.memref_slice %arg6[%multiple_of3A, %dma_start3A_49] : memref<10000x64xf32, #tpu.memory_space<vmem_shared>> -> memref<1000x64xf32, #tpu.memory_space<vmem_shared>>
        %dma_start3A_51 = tpu.memref_slice %arg2[%multiple_of3A, %multiple_of3A_3] : memref<10000x128xf32, #tpu.memory_space<hbm>> -> memref<1000x64xf32, #tpu.memory_space<hbm>>
        tpu.enqueue_dma source(%dma_start3A_51 : memref<1000x64xf32, #tpu.memory_space<hbm>>) target(%dma_start3A_50 : memref<1000x64xf32, #tpu.memory_space<vmem_shared>>) target_semaphore(%run_scoped3A_48 : memref<!tpu.dma_semaphore, #tpu.memory_space<semaphore_mem>>)
        %dma_wait3A = arith.constant 0 : i32
        %dma_wait3A_52 = tpu.memref_slice %arg6[%multiple_of3A, %dma_wait3A] : memref<10000x64xf32, #tpu.memory_space<vmem_shared>> -> memref<1000x64xf32, #tpu.memory_space<vmem_shared>>
        %dma_wait3A_53 = tpu.memref_slice %arg2[%multiple_of3A, %multiple_of3A_3] : memref<10000x128xf32, #tpu.memory_space<hbm>> -> memref<1000x64xf32, #tpu.memory_space<hbm>>
        tpu.wait_dma2 semaphore(%run_scoped3A_48 : memref<!tpu.dma_semaphore, #tpu.memory_space<semaphore_mem>>) src(%dma_wait3A_53 : memref<1000x64xf32, #tpu.memory_space<hbm>>) dst(%dma_wait3A_52 : memref<1000x64xf32, #tpu.memory_space<vmem_shared>>)
        tpu.yield
      }) : () -> ()
    } else {
    }
    %barrier3A = arith.constant 0 : index
    tpu.barrier barrier_id(%barrier3A)
    %mul3A_6 = arith.constant 200 : i32
    %mul3A_7 = arith.muli %arg1, %mul3A_6 : i32
    %add3A = arith.constant 0 : i32
    %add3A_8 = arith.addi %mul3A_7, %add3A : i32
    %multiple_of3A_9 = tpu.assume_multiple %add3A_8, 4 : i32
    %run_scoped3A = arith.constant 0 : i32
    "tpu.region"() ({
      %run_scoped3A_48 = tpu.sem_alloc : memref<!tpu.dma_semaphore, #tpu.memory_space<semaphore_mem>>
      %dma_start3A_49 = arith.constant 0 : i32
      %dma_start3A_50 = tpu.memref_slice %arg3[%run_scoped3A, %multiple_of3A_9, %dma_start3A_49] : memref<2x3200x100xi32, #tpu.memory_space<hbm>> -> memref<1x100x100xi32, #tpu.memory_space<hbm>>
      %dma_start3A_51 = tpu.memref_squeeze %dma_start3A_50 : memref<1x100x100xi32, #tpu.memory_space<hbm>> -> memref<100x100xi32, #tpu.memory_space<hbm>>
      %dma_start3A_52 = arith.constant 0 : i32
      %dma_start3A_53 = tpu.memref_slice %arg3[%run_scoped3A, %multiple_of3A_9, %dma_start3A_52] : memref<2x3200x100xi32, #tpu.memory_space<hbm>> -> memref<1x100x100xi32, #tpu.memory_space<hbm>>
      %dma_start3A_54 = tpu.memref_squeeze %dma_start3A_53 : memref<1x100x100xi32, #tpu.memory_space<hbm>> -> memref<100x100xi32, #tpu.memory_space<hbm>>
      tpu.enqueue_dma source(%dma_start3A_54 : memref<100x100xi32, #tpu.memory_space<hbm>>) target(%arg7 : memref<100x100xi32, #tpu.memory_space<vmem>>) target_semaphore(%run_scoped3A_48 : memref<!tpu.dma_semaphore, #tpu.memory_space<semaphore_mem>>)
      %dma_wait3A = arith.constant 0 : i32
      %dma_wait3A_55 = tpu.memref_slice %arg3[%run_scoped3A, %multiple_of3A_9, %dma_wait3A] : memref<2x3200x100xi32, #tpu.memory_space<hbm>> -> memref<1x100x100xi32, #tpu.memory_space<hbm>>
      %dma_wait3A_56 = tpu.memref_squeeze %dma_wait3A_55 : memref<1x100x100xi32, #tpu.memory_space<hbm>> -> memref<100x100xi32, #tpu.memory_space<hbm>>
      %dma_wait3A_57 = arith.constant 0 : i32
      %dma_wait3A_58 = tpu.memref_slice %arg3[%run_scoped3A, %multiple_of3A_9, %dma_wait3A_57] : memref<2x3200x100xi32, #tpu.memory_space<hbm>> -> memref<1x100x100xi32, #tpu.memory_space<hbm>>
      %dma_wait3A_59 = tpu.memref_squeeze %dma_wait3A_58 : memref<1x100x100xi32, #tpu.memory_space<hbm>> -> memref<100x100xi32, #tpu.memory_space<hbm>>
      tpu.wait_dma2 semaphore(%run_scoped3A_48 : memref<!tpu.dma_semaphore, #tpu.memory_space<semaphore_mem>>) src(%dma_wait3A_59 : memref<100x100xi32, #tpu.memory_space<hbm>>) dst(%arg7 : memref<100x100xi32, #tpu.memory_space<vmem>>)
      tpu.yield
    }) : () -> ()
    %run_scoped3A_10 = arith.constant 1 : i32
    "tpu.region"() ({
      %run_scoped3A_48 = tpu.sem_alloc : memref<!tpu.dma_semaphore, #tpu.memory_space<semaphore_mem>>
      %dma_start3A_49 = arith.constant 0 : i32
      %dma_start3A_50 = tpu.memref_slice %arg3[%run_scoped3A_10, %multiple_of3A_9, %dma_start3A_49] : memref<2x3200x100xi32, #tpu.memory_space<hbm>> -> memref<1x100x100xi32, #tpu.memory_space<hbm>>
      %dma_start3A_51 = tpu.memref_squeeze %dma_start3A_50 : memref<1x100x100xi32, #tpu.memory_space<hbm>> -> memref<100x100xi32, #tpu.memory_space<hbm>>
      %dma_start3A_52 = arith.constant 0 : i32
      %dma_start3A_53 = tpu.memref_slice %arg3[%run_scoped3A_10, %multiple_of3A_9, %dma_start3A_52] : memref<2x3200x100xi32, #tpu.memory_space<hbm>> -> memref<1x100x100xi32, #tpu.memory_space<hbm>>
      %dma_start3A_54 = tpu.memref_squeeze %dma_start3A_53 : memref<1x100x100xi32, #tpu.memory_space<hbm>> -> memref<100x100xi32, #tpu.memory_space<hbm>>
      tpu.enqueue_dma source(%dma_start3A_54 : memref<100x100xi32, #tpu.memory_space<hbm>>) target(%arg8 : memref<100x100xi32, #tpu.memory_space<vmem>>) target_semaphore(%run_scoped3A_48 : memref<!tpu.dma_semaphore, #tpu.memory_space<semaphore_mem>>)
      %dma_wait3A = arith.constant 0 : i32
      %dma_wait3A_55 = tpu.memref_slice %arg3[%run_scoped3A_10, %multiple_of3A_9, %dma_wait3A] : memref<2x3200x100xi32, #tpu.memory_space<hbm>> -> memref<1x100x100xi32, #tpu.memory_space<hbm>>
      %dma_wait3A_56 = tpu.memref_squeeze %dma_wait3A_55 : memref<1x100x100xi32, #tpu.memory_space<hbm>> -> memref<100x100xi32, #tpu.memory_space<hbm>>
      %dma_wait3A_57 = arith.constant 0 : i32
      %dma_wait3A_58 = tpu.memref_slice %arg3[%run_scoped3A_10, %multiple_of3A_9, %dma_wait3A_57] : memref<2x3200x100xi32, #tpu.memory_space<hbm>> -> memref<1x100x100xi32, #tpu.memory_space<hbm>>
      %dma_wait3A_59 = tpu.memref_squeeze %dma_wait3A_58 : memref<1x100x100xi32, #tpu.memory_space<hbm>> -> memref<100x100xi32, #tpu.memory_space<hbm>>
      tpu.wait_dma2 semaphore(%run_scoped3A_48 : memref<!tpu.dma_semaphore, #tpu.memory_space<semaphore_mem>>) src(%dma_wait3A_59 : memref<100x100xi32, #tpu.memory_space<hbm>>) dst(%arg8 : memref<100x100xi32, #tpu.memory_space<vmem>>)
      tpu.yield
    }) : () -> ()
    %dma_start3A = arith.constant 0 : i32
    %dma_start3A_11 = arith.constant 0 : i32
    %dma_start3A_12 = tpu.memref_slice %arg7[%dma_start3A, %dma_start3A_11] : memref<100x100xi32, #tpu.memory_space<vmem>> -> memref<1x100xi32, #tpu.memory_space<vmem>>
    %dma_start3A_13 = tpu.memref_squeeze %dma_start3A_12 : memref<1x100xi32, #tpu.memory_space<vmem>> -> memref<100xi32, #tpu.memory_space<vmem>>
    %dma_start3A_14 = arith.constant 0 : i32
    %dma_start3A_15 = arith.constant 0 : i32
    %dma_start3A_16 = tpu.memref_slice %arg5[%dma_start3A_14, %dma_start3A_15] : memref<10000x64xf32, #tpu.memory_space<vmem_shared>> -> memref<10000x64xf32, #tpu.memory_space<vmem_shared>>
    tpu.enqueue_indirect_dma source(%dma_start3A_16 : memref<10000x64xf32, #tpu.memory_space<vmem_shared>>) target(%arg9 : memref<100x64xf32, #tpu.memory_space<vmem>>) offsets(%dma_start3A_13 : memref<100xi32, #tpu.memory_space<vmem>>) semaphore(%arg11 : memref<!tpu.dma_semaphore, #tpu.memory_space<semaphore_mem>>)
    %scan3A = arith.constant 0 : i32
    %scan3A_17 = arith.constant 0 : i32
    %scan3A_18 = arith.constant 50 : i32
    %scan3A_19 = arith.addi %scan3A_17, %scan3A_18 : i32
    %scan3A_20 = arith.constant 1 : i32
    scf.for %scan3A_48 = %scan3A_17 to %scan3A_19 step %scan3A_20  : i32 {
      %mul3A_49 = arith.constant 2 : i32
      %mul3A_50 = arith.muli %mul3A_49, %scan3A_48 : i32
      %add3A_51 = arith.constant 1 : i32
      %add3A_52 = arith.addi %mul3A_50, %add3A_51 : i32
      %dma_start3A_53 = arith.constant 0 : i32
      %dma_start3A_54 = tpu.memref_slice %arg7[%add3A_52, %dma_start3A_53] : memref<100x100xi32, #tpu.memory_space<vmem>> -> memref<1x100xi32, #tpu.memory_space<vmem>>
      %dma_start3A_55 = tpu.memref_squeeze %dma_start3A_54 : memref<1x100xi32, #tpu.memory_space<vmem>> -> memref<100xi32, #tpu.memory_space<vmem>>
      %dma_start3A_56 = arith.constant 0 : i32
      %dma_start3A_57 = arith.constant 0 : i32
      %dma_start3A_58 = tpu.memref_slice %arg5[%dma_start3A_56, %dma_start3A_57] : memref<10000x64xf32, #tpu.memory_space<vmem_shared>> -> memref<10000x64xf32, #tpu.memory_space<vmem_shared>>
      tpu.enqueue_indirect_dma source(%dma_start3A_58 : memref<10000x64xf32, #tpu.memory_space<vmem_shared>>) target(%arg10 : memref<100x64xf32, #tpu.memory_space<vmem>>) offsets(%dma_start3A_55 : memref<100xi32, #tpu.memory_space<vmem>>) semaphore(%arg12 : memref<!tpu.dma_semaphore, #tpu.memory_space<semaphore_mem>>)
      %dma_wait3A = arith.constant 0 : i32
      %dma_wait3A_59 = tpu.memref_slice %arg7[%mul3A_50, %dma_wait3A] : memref<100x100xi32, #tpu.memory_space<vmem>> -> memref<1x100xi32, #tpu.memory_space<vmem>>
      %dma_wait3A_60 = tpu.memref_squeeze %dma_wait3A_59 : memref<1x100xi32, #tpu.memory_space<vmem>> -> memref<100xi32, #tpu.memory_space<vmem>>
      %dma_wait3A_61 = arith.constant 0 : i32
      %dma_wait3A_62 = arith.constant 0 : i32
      %dma_wait3A_63 = tpu.memref_slice %arg5[%dma_wait3A_61, %dma_wait3A_62] : memref<10000x64xf32, #tpu.memory_space<vmem_shared>> -> memref<10000x64xf32, #tpu.memory_space<vmem_shared>>
      tpu.wait_indirect_dma semaphore(%arg11 : memref<!tpu.dma_semaphore, #tpu.memory_space<semaphore_mem>>) src(%dma_wait3A_63 : memref<10000x64xf32, #tpu.memory_space<vmem_shared>>) dst(%arg9 : memref<100x64xf32, #tpu.memory_space<vmem>>)
      "tpu.region"() ({
        %run_scoped3A_77 = tpu.sem_alloc : memref<!tpu.dma_semaphore, #tpu.memory_space<semaphore_mem>>
        %dma_start3A_78 = arith.constant 0 : i32
        %dma_start3A_79 = tpu.memref_slice %arg8[%mul3A_50, %dma_start3A_78] : memref<100x100xi32, #tpu.memory_space<vmem>> -> memref<1x100xi32, #tpu.memory_space<vmem>>
        %dma_start3A_80 = tpu.memref_squeeze %dma_start3A_79 : memref<1x100xi32, #tpu.memory_space<vmem>> -> memref<100xi32, #tpu.memory_space<vmem>>
        %dma_start3A_81 = arith.constant 0 : i32
        %dma_start3A_82 = arith.constant 0 : i32
        %dma_start3A_83 = tpu.memref_slice %arg6[%dma_start3A_81, %dma_start3A_82] : memref<10000x64xf32, #tpu.memory_space<vmem_shared>> -> memref<10000x64xf32, #tpu.memory_space<vmem_shared>>
        tpu.enqueue_indirect_dma source(%arg9 : memref<100x64xf32, #tpu.memory_space<vmem>>) target(%dma_start3A_83 : memref<10000x64xf32, #tpu.memory_space<vmem_shared>>) offsets(%dma_start3A_80 : memref<100xi32, #tpu.memory_space<vmem>>) semaphore(%run_scoped3A_77 : memref<!tpu.dma_semaphore, #tpu.memory_space<semaphore_mem>>) {add = true}
        %dma_wait3A_84 = arith.constant 0 : i32
        %dma_wait3A_85 = tpu.memref_slice %arg8[%mul3A_50, %dma_wait3A_84] : memref<100x100xi32, #tpu.memory_space<vmem>> -> memref<1x100xi32, #tpu.memory_space<vmem>>
        %dma_wait3A_86 = tpu.memref_squeeze %dma_wait3A_85 : memref<1x100xi32, #tpu.memory_space<vmem>> -> memref<100xi32, #tpu.memory_space<vmem>>
        %dma_wait3A_87 = arith.constant 0 : i32
        %dma_wait3A_88 = arith.constant 0 : i32
        %dma_wait3A_89 = tpu.memref_slice %arg6[%dma_wait3A_87, %dma_wait3A_88] : memref<10000x64xf32, #tpu.memory_space<vmem_shared>> -> memref<10000x64xf32, #tpu.memory_space<vmem_shared>>
        tpu.wait_indirect_dma semaphore(%run_scoped3A_77 : memref<!tpu.dma_semaphore, #tpu.memory_space<semaphore_mem>>) src(%arg9 : memref<100x64xf32, #tpu.memory_space<vmem>>) dst(%dma_wait3A_89 : memref<10000x64xf32, #tpu.memory_space<vmem_shared>>)
        tpu.yield
      }) : () -> ()
      %add3A_64 = arith.constant 1 : i32
      %add3A_65 = arith.addi %add3A_52, %add3A_64 : i32
      %lt3A_66 = arith.constant 100 : i32
      %lt3A_67 = arith.cmpi slt, %add3A_65, %lt3A_66 : i32
      %convert_element_type3A_68 = arith.extui %lt3A_67 : i1 to i32
      %cond3A_69 = arith.constant 0 : i32
      %cond3A_70 = arith.cmpi ne, %convert_element_type3A_68, %cond3A_69 : i32
      scf.if %cond3A_70 {
        %add3A_77 = arith.constant 1 : i32
        %add3A_78 = arith.addi %add3A_52, %add3A_77 : i32
        %dma_start3A_79 = arith.constant 0 : i32
        %dma_start3A_80 = tpu.memref_slice %arg7[%add3A_78, %dma_start3A_79] : memref<100x100xi32, #tpu.memory_space<vmem>> -> memref<1x100xi32, #tpu.memory_space<vmem>>
        %dma_start3A_81 = tpu.memref_squeeze %dma_start3A_80 : memref<1x100xi32, #tpu.memory_space<vmem>> -> memref<100xi32, #tpu.memory_space<vmem>>
        %dma_start3A_82 = arith.constant 0 : i32
        %dma_start3A_83 = arith.constant 0 : i32
        %dma_start3A_84 = tpu.memref_slice %arg5[%dma_start3A_82, %dma_start3A_83] : memref<10000x64xf32, #tpu.memory_space<vmem_shared>> -> memref<10000x64xf32, #tpu.memory_space<vmem_shared>>
        tpu.enqueue_indirect_dma source(%dma_start3A_84 : memref<10000x64xf32, #tpu.memory_space<vmem_shared>>) target(%arg9 : memref<100x64xf32, #tpu.memory_space<vmem>>) offsets(%dma_start3A_81 : memref<100xi32, #tpu.memory_space<vmem>>) semaphore(%arg11 : memref<!tpu.dma_semaphore, #tpu.memory_space<semaphore_mem>>)
      } else {
      }
      %dma_wait3A_71 = arith.constant 0 : i32
      %dma_wait3A_72 = tpu.memref_slice %arg7[%add3A_52, %dma_wait3A_71] : memref<100x100xi32, #tpu.memory_space<vmem>> -> memref<1x100xi32, #tpu.memory_space<vmem>>
      %dma_wait3A_73 = tpu.memref_squeeze %dma_wait3A_72 : memref<1x100xi32, #tpu.memory_space<vmem>> -> memref<100xi32, #tpu.memory_space<vmem>>
      %dma_wait3A_74 = arith.constant 0 : i32
      %dma_wait3A_75 = arith.constant 0 : i32
      %dma_wait3A_76 = tpu.memref_slice %arg5[%dma_wait3A_74, %dma_wait3A_75] : memref<10000x64xf32, #tpu.memory_space<vmem_shared>> -> memref<10000x64xf32, #tpu.memory_space<vmem_shared>>
      tpu.wait_indirect_dma semaphore(%arg12 : memref<!tpu.dma_semaphore, #tpu.memory_space<semaphore_mem>>) src(%dma_wait3A_76 : memref<10000x64xf32, #tpu.memory_space<vmem_shared>>) dst(%arg10 : memref<100x64xf32, #tpu.memory_space<vmem>>)
      "tpu.region"() ({
        %run_scoped3A_77 = tpu.sem_alloc : memref<!tpu.dma_semaphore, #tpu.memory_space<semaphore_mem>>
        %dma_start3A_78 = arith.constant 0 : i32
        %dma_start3A_79 = tpu.memref_slice %arg8[%add3A_52, %dma_start3A_78] : memref<100x100xi32, #tpu.memory_space<vmem>> -> memref<1x100xi32, #tpu.memory_space<vmem>>
        %dma_start3A_80 = tpu.memref_squeeze %dma_start3A_79 : memref<1x100xi32, #tpu.memory_space<vmem>> -> memref<100xi32, #tpu.memory_space<vmem>>
        %dma_start3A_81 = arith.constant 0 : i32
        %dma_start3A_82 = arith.constant 0 : i32
        %dma_start3A_83 = tpu.memref_slice %arg6[%dma_start3A_81, %dma_start3A_82] : memref<10000x64xf32, #tpu.memory_space<vmem_shared>> -> memref<10000x64xf32, #tpu.memory_space<vmem_shared>>
        tpu.enqueue_indirect_dma source(%arg10 : memref<100x64xf32, #tpu.memory_space<vmem>>) target(%dma_start3A_83 : memref<10000x64xf32, #tpu.memory_space<vmem_shared>>) offsets(%dma_start3A_80 : memref<100xi32, #tpu.memory_space<vmem>>) semaphore(%run_scoped3A_77 : memref<!tpu.dma_semaphore, #tpu.memory_space<semaphore_mem>>) {add = true}
        %dma_wait3A_84 = arith.constant 0 : i32
        %dma_wait3A_85 = tpu.memref_slice %arg8[%add3A_52, %dma_wait3A_84] : memref<100x100xi32, #tpu.memory_space<vmem>> -> memref<1x100xi32, #tpu.memory_space<vmem>>
        %dma_wait3A_86 = tpu.memref_squeeze %dma_wait3A_85 : memref<1x100xi32, #tpu.memory_space<vmem>> -> memref<100xi32, #tpu.memory_space<vmem>>
        %dma_wait3A_87 = arith.constant 0 : i32
        %dma_wait3A_88 = arith.constant 0 : i32
        %dma_wait3A_89 = tpu.memref_slice %arg6[%dma_wait3A_87, %dma_wait3A_88] : memref<10000x64xf32, #tpu.memory_space<vmem_shared>> -> memref<10000x64xf32, #tpu.memory_space<vmem_shared>>
        tpu.wait_indirect_dma semaphore(%run_scoped3A_77 : memref<!tpu.dma_semaphore, #tpu.memory_space<semaphore_mem>>) src(%arg10 : memref<100x64xf32, #tpu.memory_space<vmem>>) dst(%dma_wait3A_89 : memref<10000x64xf32, #tpu.memory_space<vmem_shared>>)
        tpu.yield
      }) : () -> ()
    }
    %scan3A_21 = arith.constant 50 : i32
    %mul3A_22 = arith.constant 200 : i32
    %mul3A_23 = arith.muli %arg1, %mul3A_22 : i32
    %add3A_24 = arith.constant 100 : i32
    %add3A_25 = arith.addi %mul3A_23, %add3A_24 : i32
    %multiple_of3A_26 = tpu.assume_multiple %add3A_25, 4 : i32
    %run_scoped3A_27 = arith.constant 0 : i32
    "tpu.region"() ({
      %run_scoped3A_48 = tpu.sem_alloc : memref<!tpu.dma_semaphore, #tpu.memory_space<semaphore_mem>>
      %dma_start3A_49 = arith.constant 0 : i32
      %dma_start3A_50 = tpu.memref_slice %arg3[%run_scoped3A_27, %multiple_of3A_26, %dma_start3A_49] : memref<2x3200x100xi32, #tpu.memory_space<hbm>> -> memref<1x100x100xi32, #tpu.memory_space<hbm>>
      %dma_start3A_51 = tpu.memref_squeeze %dma_start3A_50 : memref<1x100x100xi32, #tpu.memory_space<hbm>> -> memref<100x100xi32, #tpu.memory_space<hbm>>
      %dma_start3A_52 = arith.constant 0 : i32
      %dma_start3A_53 = tpu.memref_slice %arg3[%run_scoped3A_27, %multiple_of3A_26, %dma_start3A_52] : memref<2x3200x100xi32, #tpu.memory_space<hbm>> -> memref<1x100x100xi32, #tpu.memory_space<hbm>>
      %dma_start3A_54 = tpu.memref_squeeze %dma_start3A_53 : memref<1x100x100xi32, #tpu.memory_space<hbm>> -> memref<100x100xi32, #tpu.memory_space<hbm>>
      tpu.enqueue_dma source(%dma_start3A_54 : memref<100x100xi32, #tpu.memory_space<hbm>>) target(%arg7 : memref<100x100xi32, #tpu.memory_space<vmem>>) target_semaphore(%run_scoped3A_48 : memref<!tpu.dma_semaphore, #tpu.memory_space<semaphore_mem>>)
      %dma_wait3A = arith.constant 0 : i32
      %dma_wait3A_55 = tpu.memref_slice %arg3[%run_scoped3A_27, %multiple_of3A_26, %dma_wait3A] : memref<2x3200x100xi32, #tpu.memory_space<hbm>> -> memref<1x100x100xi32, #tpu.memory_space<hbm>>
      %dma_wait3A_56 = tpu.memref_squeeze %dma_wait3A_55 : memref<1x100x100xi32, #tpu.memory_space<hbm>> -> memref<100x100xi32, #tpu.memory_space<hbm>>
      %dma_wait3A_57 = arith.constant 0 : i32
      %dma_wait3A_58 = tpu.memref_slice %arg3[%run_scoped3A_27, %multiple_of3A_26, %dma_wait3A_57] : memref<2x3200x100xi32, #tpu.memory_space<hbm>> -> memref<1x100x100xi32, #tpu.memory_space<hbm>>
      %dma_wait3A_59 = tpu.memref_squeeze %dma_wait3A_58 : memref<1x100x100xi32, #tpu.memory_space<hbm>> -> memref<100x100xi32, #tpu.memory_space<hbm>>
      tpu.wait_dma2 semaphore(%run_scoped3A_48 : memref<!tpu.dma_semaphore, #tpu.memory_space<semaphore_mem>>) src(%dma_wait3A_59 : memref<100x100xi32, #tpu.memory_space<hbm>>) dst(%arg7 : memref<100x100xi32, #tpu.memory_space<vmem>>)
      tpu.yield
    }) : () -> ()
    %run_scoped3A_28 = arith.constant 1 : i32
    "tpu.region"() ({
      %run_scoped3A_48 = tpu.sem_alloc : memref<!tpu.dma_semaphore, #tpu.memory_space<semaphore_mem>>
      %dma_start3A_49 = arith.constant 0 : i32
      %dma_start3A_50 = tpu.memref_slice %arg3[%run_scoped3A_28, %multiple_of3A_26, %dma_start3A_49] : memref<2x3200x100xi32, #tpu.memory_space<hbm>> -> memref<1x100x100xi32, #tpu.memory_space<hbm>>
      %dma_start3A_51 = tpu.memref_squeeze %dma_start3A_50 : memref<1x100x100xi32, #tpu.memory_space<hbm>> -> memref<100x100xi32, #tpu.memory_space<hbm>>
      %dma_start3A_52 = arith.constant 0 : i32
      %dma_start3A_53 = tpu.memref_slice %arg3[%run_scoped3A_28, %multiple_of3A_26, %dma_start3A_52] : memref<2x3200x100xi32, #tpu.memory_space<hbm>> -> memref<1x100x100xi32, #tpu.memory_space<hbm>>
      %dma_start3A_54 = tpu.memref_squeeze %dma_start3A_53 : memref<1x100x100xi32, #tpu.memory_space<hbm>> -> memref<100x100xi32, #tpu.memory_space<hbm>>
      tpu.enqueue_dma source(%dma_start3A_54 : memref<100x100xi32, #tpu.memory_space<hbm>>) target(%arg8 : memref<100x100xi32, #tpu.memory_space<vmem>>) target_semaphore(%run_scoped3A_48 : memref<!tpu.dma_semaphore, #tpu.memory_space<semaphore_mem>>)
      %dma_wait3A = arith.constant 0 : i32
      %dma_wait3A_55 = tpu.memref_slice %arg3[%run_scoped3A_28, %multiple_of3A_26, %dma_wait3A] : memref<2x3200x100xi32, #tpu.memory_space<hbm>> -> memref<1x100x100xi32, #tpu.memory_space<hbm>>
      %dma_wait3A_56 = tpu.memref_squeeze %dma_wait3A_55 : memref<1x100x100xi32, #tpu.memory_space<hbm>> -> memref<100x100xi32, #tpu.memory_space<hbm>>
      %dma_wait3A_57 = arith.constant 0 : i32
      %dma_wait3A_58 = tpu.memref_slice %arg3[%run_scoped3A_28, %multiple_of3A_26, %dma_wait3A_57] : memref<2x3200x100xi32, #tpu.memory_space<hbm>> -> memref<1x100x100xi32, #tpu.memory_space<hbm>>
      %dma_wait3A_59 = tpu.memref_squeeze %dma_wait3A_58 : memref<1x100x100xi32, #tpu.memory_space<hbm>> -> memref<100x100xi32, #tpu.memory_space<hbm>>
      tpu.wait_dma2 semaphore(%run_scoped3A_48 : memref<!tpu.dma_semaphore, #tpu.memory_space<semaphore_mem>>) src(%dma_wait3A_59 : memref<100x100xi32, #tpu.memory_space<hbm>>) dst(%arg8 : memref<100x100xi32, #tpu.memory_space<vmem>>)
      tpu.yield
    }) : () -> ()
    %dma_start3A_29 = arith.constant 0 : i32
    %dma_start3A_30 = arith.constant 0 : i32
    %dma_start3A_31 = tpu.memref_slice %arg7[%dma_start3A_29, %dma_start3A_30] : memref<100x100xi32, #tpu.memory_space<vmem>> -> memref<1x100xi32, #tpu.memory_space<vmem>>
    %dma_start3A_32 = tpu.memref_squeeze %dma_start3A_31 : memref<1x100xi32, #tpu.memory_space<vmem>> -> memref<100xi32, #tpu.memory_space<vmem>>
    %dma_start3A_33 = arith.constant 0 : i32
    %dma_start3A_34 = arith.constant 0 : i32
    %dma_start3A_35 = tpu.memref_slice %arg5[%dma_start3A_33, %dma_start3A_34] : memref<10000x64xf32, #tpu.memory_space<vmem_shared>> -> memref<10000x64xf32, #tpu.memory_space<vmem_shared>>
    tpu.enqueue_indirect_dma source(%dma_start3A_35 : memref<10000x64xf32, #tpu.memory_space<vmem_shared>>) target(%arg9 : memref<100x64xf32, #tpu.memory_space<vmem>>) offsets(%dma_start3A_32 : memref<100xi32, #tpu.memory_space<vmem>>) semaphore(%arg11 : memref<!tpu.dma_semaphore, #tpu.memory_space<semaphore_mem>>)
    %scan3A_36 = arith.constant 0 : i32
    %scan3A_37 = arith.constant 0 : i32
    %scan3A_38 = arith.constant 50 : i32
    %scan3A_39 = arith.addi %scan3A_37, %scan3A_38 : i32
    %scan3A_40 = arith.constant 1 : i32
    scf.for %scan3A_48 = %scan3A_37 to %scan3A_39 step %scan3A_40  : i32 {
      %mul3A_49 = arith.constant 2 : i32
      %mul3A_50 = arith.muli %mul3A_49, %scan3A_48 : i32
      %add3A_51 = arith.constant 1 : i32
      %add3A_52 = arith.addi %mul3A_50, %add3A_51 : i32
      %dma_start3A_53 = arith.constant 0 : i32
      %dma_start3A_54 = tpu.memref_slice %arg7[%add3A_52, %dma_start3A_53] : memref<100x100xi32, #tpu.memory_space<vmem>> -> memref<1x100xi32, #tpu.memory_space<vmem>>
      %dma_start3A_55 = tpu.memref_squeeze %dma_start3A_54 : memref<1x100xi32, #tpu.memory_space<vmem>> -> memref<100xi32, #tpu.memory_space<vmem>>
      %dma_start3A_56 = arith.constant 0 : i32
      %dma_start3A_57 = arith.constant 0 : i32
      %dma_start3A_58 = tpu.memref_slice %arg5[%dma_start3A_56, %dma_start3A_57] : memref<10000x64xf32, #tpu.memory_space<vmem_shared>> -> memref<10000x64xf32, #tpu.memory_space<vmem_shared>>
      tpu.enqueue_indirect_dma source(%dma_start3A_58 : memref<10000x64xf32, #tpu.memory_space<vmem_shared>>) target(%arg10 : memref<100x64xf32, #tpu.memory_space<vmem>>) offsets(%dma_start3A_55 : memref<100xi32, #tpu.memory_space<vmem>>) semaphore(%arg12 : memref<!tpu.dma_semaphore, #tpu.memory_space<semaphore_mem>>)
      %dma_wait3A = arith.constant 0 : i32
      %dma_wait3A_59 = tpu.memref_slice %arg7[%mul3A_50, %dma_wait3A] : memref<100x100xi32, #tpu.memory_space<vmem>> -> memref<1x100xi32, #tpu.memory_space<vmem>>
      %dma_wait3A_60 = tpu.memref_squeeze %dma_wait3A_59 : memref<1x100xi32, #tpu.memory_space<vmem>> -> memref<100xi32, #tpu.memory_space<vmem>>
      %dma_wait3A_61 = arith.constant 0 : i32
      %dma_wait3A_62 = arith.constant 0 : i32
      %dma_wait3A_63 = tpu.memref_slice %arg5[%dma_wait3A_61, %dma_wait3A_62] : memref<10000x64xf32, #tpu.memory_space<vmem_shared>> -> memref<10000x64xf32, #tpu.memory_space<vmem_shared>>
      tpu.wait_indirect_dma semaphore(%arg11 : memref<!tpu.dma_semaphore, #tpu.memory_space<semaphore_mem>>) src(%dma_wait3A_63 : memref<10000x64xf32, #tpu.memory_space<vmem_shared>>) dst(%arg9 : memref<100x64xf32, #tpu.memory_space<vmem>>)
      "tpu.region"() ({
        %run_scoped3A_77 = tpu.sem_alloc : memref<!tpu.dma_semaphore, #tpu.memory_space<semaphore_mem>>
        %dma_start3A_78 = arith.constant 0 : i32
        %dma_start3A_79 = tpu.memref_slice %arg8[%mul3A_50, %dma_start3A_78] : memref<100x100xi32, #tpu.memory_space<vmem>> -> memref<1x100xi32, #tpu.memory_space<vmem>>
        %dma_start3A_80 = tpu.memref_squeeze %dma_start3A_79 : memref<1x100xi32, #tpu.memory_space<vmem>> -> memref<100xi32, #tpu.memory_space<vmem>>
        %dma_start3A_81 = arith.constant 0 : i32
        %dma_start3A_82 = arith.constant 0 : i32
        %dma_start3A_83 = tpu.memref_slice %arg6[%dma_start3A_81, %dma_start3A_82] : memref<10000x64xf32, #tpu.memory_space<vmem_shared>> -> memref<10000x64xf32, #tpu.memory_space<vmem_shared>>
        tpu.enqueue_indirect_dma source(%arg9 : memref<100x64xf32, #tpu.memory_space<vmem>>) target(%dma_start3A_83 : memref<10000x64xf32, #tpu.memory_space<vmem_shared>>) offsets(%dma_start3A_80 : memref<100xi32, #tpu.memory_space<vmem>>) semaphore(%run_scoped3A_77 : memref<!tpu.dma_semaphore, #tpu.memory_space<semaphore_mem>>) {add = true}
        %dma_wait3A_84 = arith.constant 0 : i32
        %dma_wait3A_85 = tpu.memref_slice %arg8[%mul3A_50, %dma_wait3A_84] : memref<100x100xi32, #tpu.memory_space<vmem>> -> memref<1x100xi32, #tpu.memory_space<vmem>>
        %dma_wait3A_86 = tpu.memref_squeeze %dma_wait3A_85 : memref<1x100xi32, #tpu.memory_space<vmem>> -> memref<100xi32, #tpu.memory_space<vmem>>
        %dma_wait3A_87 = arith.constant 0 : i32
        %dma_wait3A_88 = arith.constant 0 : i32
        %dma_wait3A_89 = tpu.memref_slice %arg6[%dma_wait3A_87, %dma_wait3A_88] : memref<10000x64xf32, #tpu.memory_space<vmem_shared>> -> memref<10000x64xf32, #tpu.memory_space<vmem_shared>>
        tpu.wait_indirect_dma semaphore(%run_scoped3A_77 : memref<!tpu.dma_semaphore, #tpu.memory_space<semaphore_mem>>) src(%arg9 : memref<100x64xf32, #tpu.memory_space<vmem>>) dst(%dma_wait3A_89 : memref<10000x64xf32, #tpu.memory_space<vmem_shared>>)
        tpu.yield
      }) : () -> ()
      %add3A_64 = arith.constant 1 : i32
      %add3A_65 = arith.addi %add3A_52, %add3A_64 : i32
      %lt3A_66 = arith.constant 100 : i32
      %lt3A_67 = arith.cmpi slt, %add3A_65, %lt3A_66 : i32
      %convert_element_type3A_68 = arith.extui %lt3A_67 : i1 to i32
      %cond3A_69 = arith.constant 0 : i32
      %cond3A_70 = arith.cmpi ne, %convert_element_type3A_68, %cond3A_69 : i32
      scf.if %cond3A_70 {
        %add3A_77 = arith.constant 1 : i32
        %add3A_78 = arith.addi %add3A_52, %add3A_77 : i32
        %dma_start3A_79 = arith.constant 0 : i32
        %dma_start3A_80 = tpu.memref_slice %arg7[%add3A_78, %dma_start3A_79] : memref<100x100xi32, #tpu.memory_space<vmem>> -> memref<1x100xi32, #tpu.memory_space<vmem>>
        %dma_start3A_81 = tpu.memref_squeeze %dma_start3A_80 : memref<1x100xi32, #tpu.memory_space<vmem>> -> memref<100xi32, #tpu.memory_space<vmem>>
        %dma_start3A_82 = arith.constant 0 : i32
        %dma_start3A_83 = arith.constant 0 : i32
        %dma_start3A_84 = tpu.memref_slice %arg5[%dma_start3A_82, %dma_start3A_83] : memref<10000x64xf32, #tpu.memory_space<vmem_shared>> -> memref<10000x64xf32, #tpu.memory_space<vmem_shared>>
        tpu.enqueue_indirect_dma source(%dma_start3A_84 : memref<10000x64xf32, #tpu.memory_space<vmem_shared>>) target(%arg9 : memref<100x64xf32, #tpu.memory_space<vmem>>) offsets(%dma_start3A_81 : memref<100xi32, #tpu.memory_space<vmem>>) semaphore(%arg11 : memref<!tpu.dma_semaphore, #tpu.memory_space<semaphore_mem>>)
      } else {
      }
      %dma_wait3A_71 = arith.constant 0 : i32
      %dma_wait3A_72 = tpu.memref_slice %arg7[%add3A_52, %dma_wait3A_71] : memref<100x100xi32, #tpu.memory_space<vmem>> -> memref<1x100xi32, #tpu.memory_space<vmem>>
      %dma_wait3A_73 = tpu.memref_squeeze %dma_wait3A_72 : memref<1x100xi32, #tpu.memory_space<vmem>> -> memref<100xi32, #tpu.memory_space<vmem>>
      %dma_wait3A_74 = arith.constant 0 : i32
      %dma_wait3A_75 = arith.constant 0 : i32
      %dma_wait3A_76 = tpu.memref_slice %arg5[%dma_wait3A_74, %dma_wait3A_75] : memref<10000x64xf32, #tpu.memory_space<vmem_shared>> -> memref<10000x64xf32, #tpu.memory_space<vmem_shared>>
      tpu.wait_indirect_dma semaphore(%arg12 : memref<!tpu.dma_semaphore, #tpu.memory_space<semaphore_mem>>) src(%dma_wait3A_76 : memref<10000x64xf32, #tpu.memory_space<vmem_shared>>) dst(%arg10 : memref<100x64xf32, #tpu.memory_space<vmem>>)
      "tpu.region"() ({
        %run_scoped3A_77 = tpu.sem_alloc : memref<!tpu.dma_semaphore, #tpu.memory_space<semaphore_mem>>
        %dma_start3A_78 = arith.constant 0 : i32
        %dma_start3A_79 = tpu.memref_slice %arg8[%add3A_52, %dma_start3A_78] : memref<100x100xi32, #tpu.memory_space<vmem>> -> memref<1x100xi32, #tpu.memory_space<vmem>>
        %dma_start3A_80 = tpu.memref_squeeze %dma_start3A_79 : memref<1x100xi32, #tpu.memory_space<vmem>> -> memref<100xi32, #tpu.memory_space<vmem>>
        %dma_start3A_81 = arith.constant 0 : i32
        %dma_start3A_82 = arith.constant 0 : i32
        %dma_start3A_83 = tpu.memref_slice %arg6[%dma_start3A_81, %dma_start3A_82] : memref<10000x64xf32, #tpu.memory_space<vmem_shared>> -> memref<10000x64xf32, #tpu.memory_space<vmem_shared>>
        tpu.enqueue_indirect_dma source(%arg10 : memref<100x64xf32, #tpu.memory_space<vmem>>) target(%dma_start3A_83 : memref<10000x64xf32, #tpu.memory_space<vmem_shared>>) offsets(%dma_start3A_80 : memref<100xi32, #tpu.memory_space<vmem>>) semaphore(%run_scoped3A_77 : memref<!tpu.dma_semaphore, #tpu.memory_space<semaphore_mem>>) {add = true}
        %dma_wait3A_84 = arith.constant 0 : i32
        %dma_wait3A_85 = tpu.memref_slice %arg8[%add3A_52, %dma_wait3A_84] : memref<100x100xi32, #tpu.memory_space<vmem>> -> memref<1x100xi32, #tpu.memory_space<vmem>>
        %dma_wait3A_86 = tpu.memref_squeeze %dma_wait3A_85 : memref<1x100xi32, #tpu.memory_space<vmem>> -> memref<100xi32, #tpu.memory_space<vmem>>
        %dma_wait3A_87 = arith.constant 0 : i32
        %dma_wait3A_88 = arith.constant 0 : i32
        %dma_wait3A_89 = tpu.memref_slice %arg6[%dma_wait3A_87, %dma_wait3A_88] : memref<10000x64xf32, #tpu.memory_space<vmem_shared>> -> memref<10000x64xf32, #tpu.memory_space<vmem_shared>>
        tpu.wait_indirect_dma semaphore(%run_scoped3A_77 : memref<!tpu.dma_semaphore, #tpu.memory_space<semaphore_mem>>) src(%arg10 : memref<100x64xf32, #tpu.memory_space<vmem>>) dst(%dma_wait3A_89 : memref<10000x64xf32, #tpu.memory_space<vmem_shared>>)
        tpu.yield
      }) : () -> ()
    }
    %scan3A_41 = arith.constant 50 : i32
    %barrier3A_42 = arith.constant 0 : index
    tpu.barrier barrier_id(%barrier3A_42)
    %lt3A_43 = arith.constant 10 : i32
    %lt3A_44 = arith.cmpi slt, %arg1, %lt3A_43 : i32
    %convert_element_type3A_45 = arith.extui %lt3A_44 : i1 to i32
    %cond3A_46 = arith.constant 0 : i32
    %cond3A_47 = arith.cmpi ne, %convert_element_type3A_45, %cond3A_46 : i32
    scf.if %cond3A_47 {
      "tpu.region"() ({
        %run_scoped3A_48 = tpu.sem_alloc : memref<!tpu.dma_semaphore, #tpu.memory_space<semaphore_mem>>
        %dma_start3A_49 = tpu.memref_slice %arg4[%multiple_of3A, %multiple_of3A_3] : memref<10000x128xf32, #tpu.memory_space<hbm>> -> memref<1000x64xf32, #tpu.memory_space<hbm>>
        %dma_start3A_50 = arith.constant 0 : i32
        %dma_start3A_51 = tpu.memref_slice %arg6[%multiple_of3A, %dma_start3A_50] : memref<10000x64xf32, #tpu.memory_space<vmem_shared>> -> memref<1000x64xf32, #tpu.memory_space<vmem_shared>>
        tpu.enqueue_dma source(%dma_start3A_51 : memref<1000x64xf32, #tpu.memory_space<vmem_shared>>) target(%dma_start3A_49 : memref<1000x64xf32, #tpu.memory_space<hbm>>) target_semaphore(%run_scoped3A_48 : memref<!tpu.dma_semaphore, #tpu.memory_space<semaphore_mem>>)
        %dma_wait3A = tpu.memref_slice %arg4[%multiple_of3A, %multiple_of3A_3] : memref<10000x128xf32, #tpu.memory_space<hbm>> -> memref<1000x64xf32, #tpu.memory_space<hbm>>
        %dma_wait3A_52 = arith.constant 0 : i32
        %dma_wait3A_53 = tpu.memref_slice %arg6[%multiple_of3A, %dma_wait3A_52] : memref<10000x64xf32, #tpu.memory_space<vmem_shared>> -> memref<1000x64xf32, #tpu.memory_space<vmem_shared>>
        tpu.wait_dma2 semaphore(%run_scoped3A_48 : memref<!tpu.dma_semaphore, #tpu.memory_space<semaphore_mem>>) src(%dma_wait3A_53 : memref<1000x64xf32, #tpu.memory_space<vmem_shared>>) dst(%dma_wait3A : memref<1000x64xf32, #tpu.memory_space<hbm>>)
        tpu.yield
      }) : () -> ()
    } else {
    }
    return
  }
}

</mosaic_0001>

<sc_bundles>
// kernel: kernel.3.cloned.1.call-start
scs
__scs_entry_jumppad:
0x0: {  	(pc) =	sbr.rel $0x88, $3  }
0x1: {  	(tag) =	ssettag $0x0;
	lr =	simm.s32 $0x1  }
0x2: {  	[smem:$0x3F9F] =	sst lr;
	_ =	strace $0xD0000000  }
0x3: {  	_ = 	snop  }
0x4: {  	_ = 	snop  }
0x5: {  	_ = 	snop  }
0x6: {  	_ = 	snop  }
0x7: {  	_ = 	snop  }
__scs_overlays_trampoline_lowered:
0x8: {  	[smem:$0x3FAE] =	sst s0  }
0x9: {  	[smem:$0x3FAF] =	sst s1  }
0xa: {  	[smem:$0x3FB0] =	sst s2  }
0xb: {  	[smem:$0x3FB1] =	sst s3  }
0xc: {  	[smem:$0x3FB2] =	sst s4  }
0xd: {  	[smem:$0x3FB3] =	sst s5  }
0xe: {  	[smem:$0x3FB4] =	sst s6  }
0xf: {  	[smem:$0x3FB5] =	sst s7  }
0x10: {  	[smem:$0x3FB6] =	sst s8  }
0x11: {  	[smem:$0x3FB7] =	sst s9;
	s0 =	simm.s32 @!p0 $0x0  }
0x12: {  	s1 =	sld [smem:$0x3F9D];
	s0 =	simm.s32 @p0 $0x1  }
0x13: {  	[smem:$0x3FB8] =	sst s0;
	s0 =	simm.s32 @!p1 $0x0  }
0x14: {  	s2 =	sld [smem:$0x3F9C];
	s0 =	simm.s32 @p1 $0x1  }
0x15: {  	[smem:$0x3FB9] =	sst s0;
	s0 =	simm.s32 @!p2 $0x0  }
0x16: {  	s3 =	sld [smem:$0x3FDB];
	s0 =	simm.s32 @p2 $0x1  }
0x17: {  	s4 =	simm.s32 $0x1BF5;
	[smem:$0x3FBB] =	sst s0  }
0x18: {  	s0 =	sld [smem:$0x3F9E];
	_ =	swait.ge [sflag:s4], $0x0  }
0x19: {  	s7 =	sld [smem:$0x3F9F]  }
0x1a: {  	s8 =	sadd.s32 $0xFFFFE003, lr  }
0x1b: {  	s9 =	sadd.s32 $0xFFFFFEF7, lr;
	s5 =	simm.s32 $0xFFFFFFFF;
	p2 =	slt.u32 s8, $0xFFFFF086  }
0x1c: {  	p1 =	slt.u32 s9, $0xF7A;
	s5 =	simm.s32 @!p2 $0x0  }
0x1d: {  	s5 =	simm.s32 @p1 $0x1;
	p0 =	seq.s32 s7, s2  }
0x1e: {  	s7 =	smul.u32 @!p0 $0xF7A, s2;
	p2 =	seq.s32 @!p0 s5, $0x0  }
0x1f: {  	s9 =	smul.u32 $0xF7A, s1;
	s8 =	simm.s32 @!p0 $0x1BF5;
	p2 =	por !p2, p0  }
0x20: {  	[sflag:s8] =	ssyncset.s32 @!p0 $0xFFFFF086;
	s6 =	sadd.s32 @!p0 s3, s7;
	s7 =	simm.s32 @!p0 $0x108  }
0x21: {  	s3 =	sadd.s32 s3, s9;
	s6 =	sadd.s32 @!p0 $0x88, s6;
	s7 =	simm.s32 @p2 $0x1082  }
0x22: {  	[simem:s7], [sflag:s8] =	dma.local @!p0 [hbm:s6], $0xF7A  }
0x23: {  	s9 =	sor.u32 $0xD0000000, s2;
	s6 =	simm.s32 $0x108;
	_ =	swait.ge @!p0 [sflag:s8], $0x0  }
0x24: {  	s3 =	sadd.s32 $0x88, s3;
	s6 =	simm.s32 @!p1 $0x1082;
	[sflag:s4] =	ssyncset.s32 $0xFFFFF086  }
0x25: {  	[simem:s6], [sflag:s4] =	dma.local [hbm:s3], $0xF7A  }
0x26: {  	[smem:$0x3F9F] =	sst s1;
	(tag) =	ssettag s2;
	_ =	strace s9  }
0x27: {  	s1 =	sld [smem:$0x3FAF]  }
0x28: {  	s2 =	sld [smem:$0x3FB0]  }
0x29: {  	s4 =	sld [smem:$0x3FB2]  }
0x2a: {  	p0 =	seq.s32 s5, $0x0;
	s5 =	sld [smem:$0x3FB3]  }
0x2b: {  	s6 =	sld [smem:$0x3FB4]  }
0x2c: {  	s7 =	sld [smem:$0x3FB5]  }
0x2d: {  	s3 =	simm.s32 $0x108;
	s8 =	sld [smem:$0x3FB6]  }
0x2e: {  	s3 =	simm.s32 @!p0 $0x1082;
	s9 =	sld [smem:$0x3FB7]  }
0x2f: {  	lr =	sadd.s32 s0, s3;
	s0 =	sld [smem:$0x3FAE]  }
0x30: {  	s3 =	sld [smem:$0x3FB1]  }
0x31: {  	[smem:$0x3FBA] =	sst s10  }
0x32: {  	s10 =	sld [smem:$0x3FB8];
	_ =	sdelay $0x3  }
0x33: {  	p0 =	seq.s32 s10, $0x1;
	s10 =	sld [smem:$0x3FBA];
	_ =	sdelay $0x3  }
0x34: {  	[smem:$0x3FBA] =	sst s10  }
0x35: {  	s10 =	sld [smem:$0x3FB9];
	_ =	sdelay $0x3  }
0x36: {  	p1 =	seq.s32 s10, $0x1;
	s10 =	sld [smem:$0x3FBA];
	_ =	sdelay $0x3  }
0x37: {  	[smem:$0x3FBA] =	sst s10  }
0x38: {  	s10 =	sld [smem:$0x3FBB]  }
0x39: {  	_ = 	snop;
	(pc) =	sbr.ind lr, $3  }
0x3a: {  	_ = 	snop  }
0x3b: {  	_ = 	snop  }
0x3c: {  	p2 =	seq.s32 s10, $0x1;
	s10 =	sld [smem:$0x3FBA]  }
0x3d: {  	_ =	shalt  }
0x3e: {  	_ =	shalt  }
0x3f: {  	_ =	shalt  }
0x40: {  	_ =	shalt  }
0x41: {  	_ =	shalt  }
0x42: {  	_ =	shalt  }
0x43: {  	_ =	shalt  }
0x44: {  	_ =	shalt  }
0x45: {  	_ =	shalt  }
0x46: {  	_ =	shalt  }
0x47: {  	_ =	shalt  }
0x48: {  	_ =	shalt  }
0x49: {  	_ =	shalt  }
0x4a: {  	_ =	shalt  }
0x4b: {  	_ =	shalt  }
0x4c: {  	_ =	shalt  }
0x4d: {  	_ =	shalt  }
0x4e: {  	_ =	shalt  }
0x4f: {  	_ =	shalt  }
0x50: {  	_ =	shalt  }
0x51: {  	_ =	shalt  }
0x52: {  	_ =	shalt  }
0x53: {  	_ =	shalt  }
0x54: {  	_ =	shalt  }
0x55: {  	_ =	shalt  }
0x56: {  	_ =	shalt  }
0x57: {  	_ =	shalt  }
0x58: {  	_ =	shalt  }
0x59: {  	_ =	shalt  }
0x5a: {  	_ =	shalt  }
0x5b: {  	_ =	shalt  }
0x5c: {  	_ =	shalt  }
0x5d: {  	_ =	shalt  }
0x5e: {  	_ =	shalt  }
0x5f: {  	_ =	shalt  }
0x60: {  	_ =	shalt  }
0x61: {  	_ =	shalt  }
0x62: {  	_ =	shalt  }
0x63: {  	_ =	shalt  }
0x64: {  	_ =	shalt  }
0x65: {  	_ =	shalt  }
0x66: {  	_ =	shalt  }
0x67: {  	_ =	shalt  }
0x68: {  	_ =	shalt  }
0x69: {  	_ =	shalt  }
0x6a: {  	_ =	shalt  }
0x6b: {  	_ =	shalt  }
0x6c: {  	_ =	shalt  }
0x6d: {  	_ =	shalt  }
0x6e: {  	_ =	shalt  }
0x6f: {  	_ =	shalt  }
0x70: {  	_ =	shalt  }
0x71: {  	_ =	shalt  }
0x72: {  	_ =	shalt  }
0x73: {  	_ =	shalt  }
0x74: {  	_ =	shalt  }
0x75: {  	_ =	shalt  }
0x76: {  	_ =	shalt  }
0x77: {  	_ =	shalt  }
0x78: {  	_ =	shalt  }
0x79: {  	_ =	shalt  }
0x7a: {  	_ =	shalt  }
0x7b: {  	_ =	shalt  }
0x7c: {  	_ =	shalt  }
0x7d: {  	_ =	shalt  }
0x7e: {  	_ =	shalt  }
0x7f: {  	_ =	shalt  }
0x80: {  	_ =	shalt  }
0x81: {  	_ =	shalt  }
0x82: {  	_ =	shalt  }
0x83: {  	_ =	shalt  }
0x84: {  	_ =	shalt  }
0x85: {  	_ =	shalt  }
0x86: {  	_ =	shalt  }
0x87: {  	_ =	shalt  }
.Lfunc_end0:
.L_simem_size_0:
called_computation_lowered:
.L_overlay_start_0:
0x88: {  	s2 =	sld [smem:$0x3FD9]  }
0x89: {  	s3 =	sld [smem:$0x3FFE];
	_ =	sdelay $0x1  }
0x8a: {  	s1 =	srdreg.scid  }
0x8b: {  	s0 =	sand.u32 $0x1, s1  }
0x8c: {  	s17 =	sshll.u32 s0, $0xA;
	s2 =	sadd.s32 s3, s2  }
0x8d: {  	s2 =	sadd.s32 s2, s17  }
0x8e: {  	[smem:$0x3FC6] =	sst s2  }
0x8f: {  	_ = 	snop  }
0x90: {  	s2 =	sld [smem:$0x3FC9]  }
0x91: {  	s18 =	sld [smem:$0x3FD0];
	(tm) =	ssettm $0x1  }
0x92: {  	s4 =	sld [smem:$0x3FFB];
	_ =	sdelay $0x3  }
0x93: {  	_ =	strace s4  }
0x94: {  	s4 =	sld [smem:$0x3FFC];
	_ =	sdelay $0x3  }
0x95: {  	_ =	strace s4  }
0x96: {  	s4 =	sld [smem:$0x3FFD];
	_ =	sdelay $0x3  }
0x97: {  	_ =	strace s4  }
0x98: {  	_ =	strace $0x8FFFFFFF  }
0x99: {  	s19 =	sld [smem:$0x3FDB];
	_ =	sdelay $0x1  }
0x9a: {  	s5 =	simm.s32 $_scs_section_size  }
0x9b: {  	s6 =	simm.s32 $_size__tile_overlayer_lowered;
	s7 =	simm.s32 $_tile_overlayer_lowered  }
0x9c: {  	s22 =	simm.s32 $0x1BFF;
	s21 =	sshll.u32 s7, $0x1;
	s4 =	sadd.s32 s5, s19  }
0x9d: {  	s8 =	simm.s32 $0x0;
	s20 =	sshll.u32 s6, $0x1;
	s6 =	sadd.s32 s21, s4  }
0x9e: {  	[timem:s8], [sflag:s22] =	dma.local [hbm:s6], s20  }
0x9f: {  	_ =	swait.ge [sflag:s22], s20  }
0xa0: {  	s5 =	ssub.s32 $0x0, s20;
	[sflag:s22] =	ssyncset.done $0x0  }
0xa1: {  	[sflag:s22] =	ssyncadd.s32 s5;
	_ =	sdelay $0x1  }
0xa2: {  	s23 =	simm.s32 $0x1B8B  }
0xa3: {  	_ =	swait.ge [sflag:s23], $0x1  }
0xa4: {  	[sflag:s23] =	ssyncset.done $0x0  }
0xa5: {  	s25 =	simm.s32 $0x1B8E;
	s24 =	sld [smem:$0x3FFE];
	[sflag:s23] =	ssyncadd.s32 $0xFFFFFFFF  }
0xa6: {  	s26 =	simm.s32 $execute0_lowered;
	[smem:$0x3FD2] =	sst s25  }
0xa7: {  	s6 =	sshll.u32 s26, $0x1;
	_ =	strace $0x80000046;
	[dreg:$0x1] =	wrdreg $0xFFFFFFFF  }
0xa8: {  	s28 =	simm.s32 $_size_execute0_lowered;
	s4 =	sadd.s32 s4, s6;
	[dreg:$0x0] =	wrdreg $0x0  }
0xa9: {  	s6 =	sshll.u32 s28, $0x1;
	[dreg:$0x2] =	wrdreg s4  }
0xaa: {  	[dreg:$0x3] =	wrdreg s6  }
0xab: {  	[dreg:$0x4] =	wrdreg $0xC0  }
0xac: {  	_ =	task [dreg:s8], $0x5FFFF  }
0xad: {  	[dreg:$0x1] =	wrdreg $0xFFFFFFFF  }
0xae: {  	[dreg:$0x0] =	wrdreg $0x60  }
0xaf: {  	[dreg:$0x2] =	wrdreg s2  }
0xb0: {  	[dreg:$0x3] =	wrdreg s24  }
0xb1: {  	[dreg:$0x4] =	wrdreg s18  }
0xb2: {  	[dreg:$0x5] =	wrdreg $0x0  }
0xb3: {  	[dreg:$0x6] =	wrdreg $0x9C400  }
0xb4: {  	[dreg:$0x7] =	wrdreg $0x9  }
0xb5: {  	_ =	task.clear_ibuf [dreg:s8], $0x8FFFF;
	_ =	strace $0x90000046  }
0xb6: {  	s29 =	simm.s32 $0x9;
	_ =	strace $0x80000048  }
0xb7: {  	_ =	swait.ge [sflag:s29], $0x1  }
0xb8: {  	[sflag:s29] =	ssyncadd.s32 $0xFFFFFFFF  }
0xb9: {  	_ =	strace $0x90000048  }
0xba: {  	_ =	sfence  }
0xbb: {  	s30 =	sld [smem:$0x0];
	_ =	sdelay $0x2  }
0xbc: {  	s31 =	sshll.u32 s1, $0xD;
	s1 =	sshrl.u32 s1, $0x2  }
0xbd: {  	s3 =	sand.u32 $0x4000, s31;
	s1 =	sadd.s32 s1, s30  }
0xbe: {  	s0 =	sor.u32 s3, s0;
	s1 =	sshll.u32 s1, $0x11  }
0xbf: {  	s0 =	sor.u32 s1, s0  }
0xc0: {  	s0 =	sadd.s32 $0x8F2B, s0  }
0xc1: {  	[sflag:s0] =	ssyncadd.remote.s32 $0x1  }
0xc2: {  	_ =	sfence.sel $0xFFFF  }
0xc3: {  	[dreg:$0x0] =	wrdreg $0xFFFFFFFF;
	(pc) =	sbr.abs _section_cstart, $3  }
0xc4: {  	[dreg:$0x1] =	wrdreg $0xFFFFFFFF  }
0xc5: {  	_ =	task.clear_ibuf [dreg:s8], $0x2FFFF;
	_ =	strace $0x9FFFFFFF  }
0xc6: {  	(tm) =	ssettm $0x7FFFFFFF  }
0xc7: {  	_ =	shalt  }
tec
execute0_lowered:
.L_overlay_start_1:
0x0: {  	(tag) =	ssettag $0x1  }
0x1: {  	s5 =	rddreg [dreg:$0x0]  }
0x2: {  	s6 =	rddreg [dreg:$0x1]  }
0x3: {  	s10 =	rddreg [dreg:$0x2]  }
0x4: {  	s1 =	rddreg [dreg:$0x3]  }
0x5: {  	s3 =	rddreg [dreg:$0x4];
	s4 =	simm.s32 $0x0;
	s0 =	stileid.u32  }
0x6: {  	s8 =	srdreg.scid;
	s17 =	simm.s32 $0x16120;
	s18 =	simm.s32 $0x64  }
0x7: {  	s19 =	simm.s32 $0x189C0;
	s20 =	simm.s32 $0x1A2C0;
	s21 =	simm.s32 $0x1  }
0x8: {  	s22 =	simm.s32 $0x2;
	s23 =	simm.s32 $0x160B8;
	s7 =	smul.u32 $0x5140, s0  }
0x9: {  	s24 =	simm.s32 $0x188F0;
	s26 =	simm.s32 $0x18958;
	s9 =	smul.u32 $0x1F400, s0  }
0xa: {  	s28 =	simm.s32 $0x0;
	[smem:$0x7FF] =	sst s4;
	s29 =	smul.u32 $0xFA00, s0  }
0xb: {  	s8 =	sand.u32 $0x1, s8;
	s16 =	smul.u32 $0x3E800, s0;
	p0 =	sgt.u32 s0, $0x9  }
0xc: {  	_ =	strace $0x80000047;
	s11 =	ssub.s32 $0x2, s8;
	s8 =	sshll.u32 s8, $0x6  }
0xd: {  	s7 =	sshrl.u32 s7, $0x3;
	s12 =	sshrl.u32 s11, $0x1;
	s8 =	sor.u32 s8, s9  }
0xe: {  	s14 =	sadd.s32 s29, s1;
	s15 =	sadd.s32 s29, s3;
	s31 =	sshrl.u32 s16, $0x2  }
0xf: {  	s16 =	simm.s32 $0x3;
	s13 =	sadd.s32 s7, s6;
	s30 =	sshrl.u32 s8, $0x3  }
0x10: {  	s11 =	ssub.s32 s11, s12;
	s25 =	sadd.s32 s31, s3;
	s5 =	sadd.s32 s5, s30  }
0x11: {  	s6 =	sadd.s32 $0x400, s13;
	s7 =	sadd.s32 $0xA680, s13;
	s8 =	sadd.s32 $0x914, s13  }
0x12: {  	s9 =	sadd.s32 $0xAB94, s13;
	s10 =	sadd.s32 s10, s30;
	s13 =	sshll.u32 @!p0 s0, $0x6  }
0x13: {  	s11 =	smax.u32 s11, $0x1;
	s25 =	sshrl.u32 @!p0 s25, $0x3;
	s12 =	sor.u32 @!p0 $0x1C03, s13  }
0x14: {  	s13 =	sshrl.u32 @!p0 s14, $0x3;
	s14 =	sshrl.u32 @!p0 s15, $0x3;
	s15 =	simm.s32 $0x13880  }
.LBB2_1:
0x15: {  	s29 =	simm.s32 @!p0 $0x1  }
0x16: {  	s30 =	simm.s32 @!p0 $0x8;
	s31 =	simm.s32 @!p0 $0x10;
	s0 =	simm.s32 @!p0 $0x3  }
0x17: {  	[spmem:s13@s30], [sflag:s12] =	dma.strided @!p0 [hbm:s5@s31], $0x1F40, s29, $0x8   }
0x18: {  	_ =	swait.ge @!p0 [sflag:s0], $0x1F40  }
0x19: {  	[sflag:s0] =	ssyncset.done @!p0 $0x0  }
0x1a: {  	[sflag:s0] =	ssyncadd.s32 @!p0 $0xFFFFE0C0  }
0x1b: {  	[spmem:s14@s30], [sflag:s12] =	dma.strided @!p0 [hbm:s5@s31], $0x1F40, s29, $0x8   }
0x1c: {  	_ =	swait.ge @!p0 [sflag:s0], $0x1F40  }
0x1d: {  	[sflag:s0] =	ssyncset.done @!p0 $0x0  }
0x1e: {  	[sflag:s0] =	ssyncadd.s32 @!p0 $0xFFFFE0C0  }
0x1f: {  	[bflag:$0x0] =	sbarrier.arrive $0xFFFF  }
0x20: {  	[tilespmem:s15], [sflag:$0x3] =	stream.linear.gather [hbm4b:s6+s4], $0x28A0, $0x38;
	[tilespmem:$0x1BBC0] =	vst v63  }
0x21: {  	_ =	swait.ge [sflag:s16], $0x28A0  }
0x22: {  	[sflag:s16] =	ssyncset.done $0x0  }
0x23: {  	[sflag:s16] =	ssyncadd.s32 $0xFFFFD760  }
0x24: {  	[tilespmem:s17], [sflag:$0x3] =	stream.linear.gather [hbm4b:s7+s4], $0x28A0, $0x38;
	[tilespmem:$0x1BBC0] =	vst v63  }
0x25: {  	_ =	swait.ge [sflag:s16], $0x28A0  }
0x26: {  	[sflag:s16] =	ssyncset.done $0x0  }
0x27: {  	[sflag:s16] =	ssyncadd.s32 $0xFFFFD760  }
0x28: {  	[tilespmem:s19], [sflag:$0x1] =	stream.indirect.gather [spmem:s1], $0x40, s15, s18, $0xb8;
	[tilespmem:$0x1BBC0] =	vst v63  }
0x29: {  	s2 =	simm.s32 $0x138E8  }
0x2a: {  	[tilespmem:s20], [sflag:$0x2] =	stream.indirect.gather [spmem:s1], $0x40, s2, s18, $0xb8;
	[tilespmem:$0x1BBC0] =	vst v63  }
0x2b: {  	_ =	swait.ge [sflag:s21], $0x1900  }
0x2c: {  	[sflag:s21] =	ssyncset.done $0x0  }
0x2d: {  	s31 =	simm.s32 $0x16120;
	[sflag:s21] =	ssyncadd.s32 $0xFFFFE700  }
0x2e: {  	[spmem:s3] =	stream.indirect.scatter.add.f32 [tilespmem:s19], [sflag:$0x3], $0x40, s31, s18, $0xb8;
	[tilespmem:$0x1BBC0] =	vst v63  }
0x2f: {  	_ =	swait.ge [sflag:s16], $0x1900  }
0x30: {  	[sflag:s16] =	ssyncset.done $0x0  }
0x31: {  	s2 =	simm.s32 $0x13950;
	[sflag:s16] =	ssyncadd.s32 $0xFFFFE700  }
0x32: {  	[tilespmem:s19], [sflag:$0x1] =	stream.indirect.gather [spmem:s1], $0x40, s2, s18, $0xb8;
	[tilespmem:$0x1BBC0] =	vst v63  }
0x33: {  	_ =	swait.ge [sflag:s22], $0x1900  }
0x34: {  	[sflag:s22] =	ssyncset.done $0x0  }
0x35: {  	s31 =	simm.s32 $0x16188;
	[sflag:s22] =	ssyncadd.s32 $0xFFFFE700  }
0x36: {  	[spmem:s3] =	stream.indirect.scatter.add.f32 [tilespmem:s20], [sflag:$0x3], $0x40, s31, s18, $0xb8;
	[tilespmem:$0x1BBC0] =	vst v63  }
0x37: {  	_ =	swait.ge [sflag:s16], $0x1900  }
0x38: {  	s30 =	simm.s32 $0x680;
	s29 =	simm.s32 $0xD0;
	[sflag:s16] =	ssyncset.done $0x0  }
.LBB2_2:
0x39: {  	s0 =	sadd.s32 $0x138E8, s29  }
0x3a: {  	[sflag:s16] =	ssyncadd.s32 $0xFFFFE700;
	s31 =	smov.u32 s30;
	s2 =	sadd.s32 $0x340, s30  }
0x3b: {  	[tilespmem:s20], [sflag:$0x2] =	stream.indirect.gather [spmem:s1], $0x40, s0, s18, $0xb8;
	[tilespmem:$0x1BBC0] =	vst v63  }
0x3c: {  	p1 =	sne.s32 s30, $0x9C00;
	_ =	swait.ge [sflag:s21], $0x1900  }
0x3d: {  	[sflag:s21] =	ssyncset.done $0x0  }
0x3e: {  	s0 =	sadd.s32 $0x16120, s29;
	[sflag:s21] =	ssyncadd.s32 $0xFFFFE700  }
0x3f: {  	[spmem:s3] =	stream.indirect.scatter.add.f32 [tilespmem:s19], [sflag:$0x3], $0x40, s0, s18, $0xb8;
	[tilespmem:$0x1BBC0] =	vst v63  }
0x40: {  	_ =	swait.ge [sflag:s16], $0x1900  }
0x41: {  	[sflag:s16] =	ssyncset.done $0x0  }
0x42: {  	s0 =	sadd.s32 $0x13950, s29;
	[sflag:s16] =	ssyncadd.s32 $0xFFFFE700  }
0x43: {  	[tilespmem:s19], [sflag:$0x1] =	stream.indirect.gather [spmem:s1], $0x40, s0, s18, $0xb8;
	[tilespmem:$0x1BBC0] =	vst v63  }
0x44: {  	_ =	swait.ge [sflag:s22], $0x1900  }
.Ltmp0:
0x45: {  	[sflag:s22] =	ssyncset.done $0x0;
	(pc) =	sbr.rel @p1 .LBB2_2-.Ltmp0, $4  }
0x46: {  	s0 =	sadd.s32 $0x16188, s29;
	[sflag:s22] =	ssyncadd.s32 $0xFFFFE700  }
0x47: {  	[spmem:s3] =	stream.indirect.scatter.add.f32 [tilespmem:s20], [sflag:$0x3], $0x40, s0, s18, $0xb8;
	[tilespmem:$0x1BBC0] =	vst v63  }
0x48: {  	_ =	swait.ge [sflag:s16], $0x1900  }
0x49: {  	s30 =	smov.u32 s2;
	s29 =	sshra.s32 s31, $0x2;
	[sflag:s16] =	ssyncset.done $0x0  }
0x4a: {  	s0 =	sadd.s32 $0x138E8, s29;
	[sflag:s16] =	ssyncadd.s32 $0xFFFFE700  }
0x4b: {  	[tilespmem:s20], [sflag:$0x2] =	stream.indirect.gather [spmem:s1], $0x40, s0, s18, $0xb8;
	[tilespmem:$0x1BBC0] =	vst v63  }
0x4c: {  	_ =	swait.ge [sflag:s21], $0x1900  }
0x4d: {  	[sflag:s21] =	ssyncset.done $0x0  }
0x4e: {  	s2 =	sadd.s32 $0x16120, s29;
	[sflag:s21] =	ssyncadd.s32 $0xFFFFE700  }
0x4f: {  	[spmem:s3] =	stream.indirect.scatter.add.f32 [tilespmem:s19], [sflag:$0x3], $0x40, s2, s18, $0xb8;
	[tilespmem:$0x1BBC0] =	vst v63  }
0x50: {  	_ =	swait.ge [sflag:s16], $0x1900  }
0x51: {  	[sflag:s16] =	ssyncset.done $0x0  }
0x52: {  	s31 =	sadd.s32 $0x13950, s29;
	[sflag:s16] =	ssyncadd.s32 $0xFFFFE700  }
0x53: {  	[tilespmem:s19], [sflag:$0x1] =	stream.indirect.gather [spmem:s1], $0x40, s31, s18, $0xb8;
	[tilespmem:$0x1BBC0] =	vst v63  }
0x54: {  	_ =	swait.ge [sflag:s22], $0x1900  }
0x55: {  	[sflag:s22] =	ssyncset.done $0x0  }
0x56: {  	s2 =	sadd.s32 $0x16188, s29;
	[sflag:s22] =	ssyncadd.s32 $0xFFFFE700  }
0x57: {  	[spmem:s3] =	stream.indirect.scatter.add.f32 [tilespmem:s20], [sflag:$0x3], $0x40, s2, s18, $0xb8;
	[tilespmem:$0x1BBC0] =	vst v63  }
0x58: {  	_ =	swait.ge [sflag:s16], $0x1900  }
0x59: {  	[sflag:s16] =	ssyncset.done $0x0  }
0x5a: {  	[sflag:s16] =	ssyncadd.s32 $0xFFFFE700  }
0x5b: {  	[tilespmem:s20], [sflag:$0x2] =	stream.indirect.gather [spmem:s1], $0x40, s23, s18, $0xb8;
	[tilespmem:$0x1BBC0] =	vst v63  }
0x5c: {  	_ =	swait.ge [sflag:s21], $0x1900  }
0x5d: {  	[sflag:s21] =	ssyncset.done $0x0  }
0x5e: {  	[sflag:s21] =	ssyncadd.s32 $0xFFFFE700  }
0x5f: {  	[spmem:s3] =	stream.indirect.scatter.add.f32 [tilespmem:s19], [sflag:$0x3], $0x40, s24, s18, $0xb8;
	[tilespmem:$0x1BBC0] =	vst v63  }
0x60: {  	_ =	swait.ge [sflag:s16], $0x1900  }
0x61: {  	[sflag:s16] =	ssyncset.done $0x0  }
0x62: {  	[sflag:s16] =	ssyncadd.s32 $0xFFFFE700  }
0x63: {  	_ =	swait.ge [sflag:s22], $0x1900  }
0x64: {  	[sflag:s22] =	ssyncset.done $0x0  }
0x65: {  	[sflag:s22] =	ssyncadd.s32 $0xFFFFE700  }
0x66: {  	[spmem:s3] =	stream.indirect.scatter.add.f32 [tilespmem:s20], [sflag:$0x3], $0x40, s26, s18, $0xb8;
	[tilespmem:$0x1BBC0] =	vst v63  }
0x67: {  	_ =	swait.ge [sflag:s16], $0x1900  }
0x68: {  	[sflag:s16] =	ssyncset.done $0x0  }
0x69: {  	s31 =	simm.s32 $0x0;
	[sflag:s16] =	ssyncadd.s32 $0xFFFFE700  }
0x6a: {  	[tilespmem:s15], [sflag:$0x3] =	stream.linear.gather [hbm4b:s8+s31], $0x28A0, $0x38;
	[tilespmem:$0x1BBC0] =	vst v63  }
0x6b: {  	_ =	swait.ge [sflag:s16], $0x28A0  }
0x6c: {  	[sflag:s16] =	ssyncset.done $0x0  }
0x6d: {  	[sflag:s16] =	ssyncadd.s32 $0xFFFFD760  }
0x6e: {  	[tilespmem:s17], [sflag:$0x3] =	stream.linear.gather [hbm4b:s9+s31], $0x28A0, $0x38;
	[tilespmem:$0x1BBC0] =	vst v63  }
0x6f: {  	_ =	swait.ge [sflag:s16], $0x28A0  }
0x70: {  	[sflag:s16] =	ssyncset.done $0x0  }
0x71: {  	[sflag:s16] =	ssyncadd.s32 $0xFFFFD760  }
0x72: {  	[tilespmem:s19], [sflag:$0x1] =	stream.indirect.gather [spmem:s1], $0x40, s15, s18, $0xb8;
	[tilespmem:$0x1BBC0] =	vst v63  }
0x73: {  	s2 =	simm.s32 $0x138E8  }
0x74: {  	[tilespmem:s20], [sflag:$0x2] =	stream.indirect.gather [spmem:s1], $0x40, s2, s18, $0xb8;
	[tilespmem:$0x1BBC0] =	vst v63  }
0x75: {  	_ =	swait.ge [sflag:s21], $0x1900  }
0x76: {  	[sflag:s21] =	ssyncset.done $0x0  }
0x77: {  	s31 =	simm.s32 $0x16120;
	[sflag:s21] =	ssyncadd.s32 $0xFFFFE700  }
0x78: {  	[spmem:s3] =	stream.indirect.scatter.add.f32 [tilespmem:s19], [sflag:$0x3], $0x40, s31, s18, $0xb8;
	[tilespmem:$0x1BBC0] =	vst v63  }
0x79: {  	_ =	swait.ge [sflag:s16], $0x1900  }
0x7a: {  	[sflag:s16] =	ssyncset.done $0x0  }
0x7b: {  	s2 =	simm.s32 $0x13950;
	[sflag:s16] =	ssyncadd.s32 $0xFFFFE700  }
0x7c: {  	[tilespmem:s19], [sflag:$0x1] =	stream.indirect.gather [spmem:s1], $0x40, s2, s18, $0xb8;
	[tilespmem:$0x1BBC0] =	vst v63  }
0x7d: {  	_ =	swait.ge [sflag:s22], $0x1900  }
0x7e: {  	[sflag:s22] =	ssyncset.done $0x0  }
0x7f: {  	s31 =	simm.s32 $0x16188;
	[sflag:s22] =	ssyncadd.s32 $0xFFFFE700  }
0x80: {  	[spmem:s3] =	stream.indirect.scatter.add.f32 [tilespmem:s20], [sflag:$0x3], $0x40, s31, s18, $0xb8;
	[tilespmem:$0x1BBC0] =	vst v63  }
0x81: {  	_ =	swait.ge [sflag:s16], $0x1900  }
0x82: {  	s30 =	simm.s32 $0x680;
	s29 =	simm.s32 $0xD0;
	[sflag:s16] =	ssyncset.done $0x0  }
.LBB2_4:
0x83: {  	s0 =	sadd.s32 $0x138E8, s29  }
0x84: {  	[sflag:s16] =	ssyncadd.s32 $0xFFFFE700;
	s2 =	smov.u32 s30;
	s31 =	sadd.s32 $0x340, s30  }
0x85: {  	[tilespmem:s20], [sflag:$0x2] =	stream.indirect.gather [spmem:s1], $0x40, s0, s18, $0xb8;
	[tilespmem:$0x1BBC0] =	vst v63  }
0x86: {  	p1 =	sne.s32 s30, $0x9C00;
	_ =	swait.ge [sflag:s21], $0x1900  }
0x87: {  	[sflag:s21] =	ssyncset.done $0x0  }
0x88: {  	s0 =	sadd.s32 $0x16120, s29;
	[sflag:s21] =	ssyncadd.s32 $0xFFFFE700  }
0x89: {  	[spmem:s3] =	stream.indirect.scatter.add.f32 [tilespmem:s19], [sflag:$0x3], $0x40, s0, s18, $0xb8;
	[tilespmem:$0x1BBC0] =	vst v63  }
0x8a: {  	_ =	swait.ge [sflag:s16], $0x1900  }
0x8b: {  	[sflag:s16] =	ssyncset.done $0x0  }
0x8c: {  	s0 =	sadd.s32 $0x13950, s29;
	[sflag:s16] =	ssyncadd.s32 $0xFFFFE700  }
0x8d: {  	[tilespmem:s19], [sflag:$0x1] =	stream.indirect.gather [spmem:s1], $0x40, s0, s18, $0xb8;
	[tilespmem:$0x1BBC0] =	vst v63  }
0x8e: {  	_ =	swait.ge [sflag:s22], $0x1900  }
.Ltmp1:
0x8f: {  	[sflag:s22] =	ssyncset.done $0x0;
	(pc) =	sbr.rel @p1 .LBB2_4-.Ltmp1, $4  }
0x90: {  	s0 =	sadd.s32 $0x16188, s29;
	[sflag:s22] =	ssyncadd.s32 $0xFFFFE700  }
0x91: {  	[spmem:s3] =	stream.indirect.scatter.add.f32 [tilespmem:s20], [sflag:$0x3], $0x40, s0, s18, $0xb8;
	[tilespmem:$0x1BBC0] =	vst v63  }
0x92: {  	_ =	swait.ge [sflag:s16], $0x1900  }
0x93: {  	s30 =	smov.u32 s31;
	s29 =	sshra.s32 s2, $0x2;
	[sflag:s16] =	ssyncset.done $0x0  }
0x94: {  	s0 =	sadd.s32 $0x138E8, s29;
	[sflag:s16] =	ssyncadd.s32 $0xFFFFE700  }
0x95: {  	[tilespmem:s20], [sflag:$0x2] =	stream.indirect.gather [spmem:s1], $0x40, s0, s18, $0xb8;
	[tilespmem:$0x1BBC0] =	vst v63  }
0x96: {  	_ =	swait.ge [sflag:s21], $0x1900  }
0x97: {  	[sflag:s21] =	ssyncset.done $0x0  }
0x98: {  	s2 =	sadd.s32 $0x16120, s29;
	[sflag:s21] =	ssyncadd.s32 $0xFFFFE700  }
0x99: {  	[spmem:s3] =	stream.indirect.scatter.add.f32 [tilespmem:s19], [sflag:$0x3], $0x40, s2, s18, $0xb8;
	[tilespmem:$0x1BBC0] =	vst v63  }
0x9a: {  	_ =	swait.ge [sflag:s16], $0x1900  }
0x9b: {  	[sflag:s16] =	ssyncset.done $0x0  }
0x9c: {  	s30 =	sadd.s32 $0x13950, s29;
	[sflag:s16] =	ssyncadd.s32 $0xFFFFE700  }
0x9d: {  	[tilespmem:s19], [sflag:$0x1] =	stream.indirect.gather [spmem:s1], $0x40, s30, s18, $0xb8;
	[tilespmem:$0x1BBC0] =	vst v63  }
0x9e: {  	_ =	swait.ge [sflag:s22], $0x1900  }
0x9f: {  	[sflag:s22] =	ssyncset.done $0x0  }
0xa0: {  	s31 =	sadd.s32 $0x16188, s29;
	[sflag:s22] =	ssyncadd.s32 $0xFFFFE700  }
0xa1: {  	[spmem:s3] =	stream.indirect.scatter.add.f32 [tilespmem:s20], [sflag:$0x3], $0x40, s31, s18, $0xb8;
	[tilespmem:$0x1BBC0] =	vst v63  }
0xa2: {  	_ =	swait.ge [sflag:s16], $0x1900  }
0xa3: {  	[sflag:s16] =	ssyncset.done $0x0  }
0xa4: {  	[sflag:s16] =	ssyncadd.s32 $0xFFFFE700  }
0xa5: {  	[tilespmem:s20], [sflag:$0x2] =	stream.indirect.gather [spmem:s1], $0x40, s23, s18, $0xb8;
	[tilespmem:$0x1BBC0] =	vst v63  }
0xa6: {  	_ =	swait.ge [sflag:s21], $0x1900  }
0xa7: {  	[sflag:s21] =	ssyncset.done $0x0  }
0xa8: {  	[sflag:s21] =	ssyncadd.s32 $0xFFFFE700  }
0xa9: {  	[spmem:s3] =	stream.indirect.scatter.add.f32 [tilespmem:s19], [sflag:$0x3], $0x40, s24, s18, $0xb8;
	[tilespmem:$0x1BBC0] =	vst v63  }
0xaa: {  	_ =	swait.ge [sflag:s16], $0x1900  }
0xab: {  	[sflag:s16] =	ssyncset.done $0x0  }
0xac: {  	[sflag:s16] =	ssyncadd.s32 $0xFFFFE700  }
0xad: {  	_ =	swait.ge [sflag:s22], $0x1900  }
0xae: {  	[sflag:s22] =	ssyncset.done $0x0  }
0xaf: {  	[sflag:s22] =	ssyncadd.s32 $0xFFFFE700  }
0xb0: {  	[spmem:s3] =	stream.indirect.scatter.add.f32 [tilespmem:s20], [sflag:$0x3], $0x40, s26, s18, $0xb8;
	[tilespmem:$0x1BBC0] =	vst v63  }
0xb1: {  	_ =	swait.ge [sflag:s16], $0x1900  }
0xb2: {  	s29 =	simm.s32 @!p0 $0x8;
	[sflag:s16] =	ssyncset.done $0x0  }
0xb3: {  	s28 =	sadd.s32 $0x1, s28;
	s0 =	simm.s32 @!p0 $0x1;
	[sflag:s16] =	ssyncadd.s32 $0xFFFFE700  }
0xb4: {  	p1 =	sne.s32 s28, s11;
	s2 =	simm.s32 @!p0 $0x10;
	[bflag:$0x0] =	sbarrier.arrive $0xFFFF  }
0xb5: {  	[hbm:s10@s2], [sflag:s12] =	dma.strided @!p0 [spmem:s25@s29], $0x1F40, s0, $0x8   }
.Ltmp2:
0xb6: {  	_ = 	snop;
	(pc) =	sbr.rel @p1 .LBB2_1-.Ltmp2, $4  }
0xb7: {  	s0 =	simm.s32 @!p0 $0x3  }
0xb8: {  	_ =	swait.ge @!p0 [sflag:s0], $0x1F40  }
0xb9: {  	[sflag:s0] =	ssyncset.done @!p0 $0x0  }
0xba: {  	[sflag:s0] =	ssyncadd.s32 @!p0 $0xFFFFE0C0  }
0xbb: {  	_ =	sfence.sel $0x180000  }
0xbc: {  	[bflag:$0x0] =	sbarrier.arrive $0xFFFF  }
0xbd: {  	_ =	strace $0x90000047  }
0xbe: {  	s0 =	stileid.u32;
	[bflag:$0x2] =	sbarrier.arrive $0xFFFF  }
0xbf: {  	p0 =	sne.s32 s0, $0x0;
	s0 =	rddreg [dreg:$0x5]  }
0xc0: {  	s0 =	sadd.s32 @!p0 $0x100000, s0  }
0xc1: {  	[sflag:s0] =	ssyncadd.tile.s32 @!p0 $0x1;
	_ =	shalt  }
.Lfunc_end2:
_tile_overlayer_lowered:
.L_overlay_start_2:
0xc2: {  	(tag) =	ssettag $0x2  }
0xc3: {  	s0 =	rddreg [dreg:$0x0];
	s2 =	stileid.u32  }
0xc4: {  	s1 =	rddreg [dreg:$0x1];
	p0 =	sne.s32 s2, $0x0  }
0xc5: {  	s3 =	rddreg [dreg:$0x2];
	[bflag:$0x3] =	sbarrier.arrive $0xFFFF;
	s2 =	simm.s32 @!p0 $0x1C03  }
0xc6: {  	[timem:s3], [sflag:s2] =	dma.local @!p0 [hbm:s0], s1  }
0xc7: {  	s0 =	simm.s32 @!p0 $0x3  }
0xc8: {  	_ =	swait.ge @!p0 [sflag:s0], s1  }
0xc9: {  	s1 =	ssub.s32 @!p0 $0x0, s1;
	[sflag:s0] =	ssyncset.done @!p0 $0x0  }
0xca: {  	[sflag:s0] =	ssyncadd.s32 @!p0 s1  }
0xcb: {  	[bflag:$0x3] =	sbarrier.arrive $0xFFFF  }
0xcc: {  	_ =	shalt  }

</sc_bundles>
